<compile_context>
chip_gen: v7x
topology: tpu7x:2x2x1
jax: 0.10.2.dev20260603
libtpu: 0.0.44.dev20260713+nightly
codegen_flags: <defaults>
</compile_context>

<pallas_src>
import functools

import jax
import jax.numpy as jnp
from jax import lax
from jax.experimental import pallas as pl
from jax.experimental.pallas import tpu as pltpu
from jax.experimental.pallas import tpu_sc as plsc

N = 10000
E = 320000
D_FEAT = 128
D_EDGE = 16
DM = 128
H = 8
HD = 16

NC, NS = 2, 16
NW = NC * NS
EPW = E // NW
CH = 80
NCH = EPW // CH
EPT = E // NS
NCHT = EPT // CH

_sc_mesh = plsc.VectorSubcoreMesh(
    core_axis_name="c", subcore_axis_name="s", num_cores=NC, num_subcores=NS)


def _node_proj_body(nf_ref, w_ref, b_ref, out_ref):
    out_ref[...] = (
        jnp.dot(nf_ref[...], w_ref[...], preferred_element_type=jnp.float32)
        + b_ref[...])


_node_proj = pl.pallas_call(
    _node_proj_body,
    grid=(10,),
    in_specs=[
        pl.BlockSpec((1000, D_FEAT), lambda i: (i, 0)),
        pl.BlockSpec((D_FEAT, DM), lambda i: (0, 0)),
        pl.BlockSpec((1, DM), lambda i: (0, 0)),
    ],
    out_specs=pl.BlockSpec((1000, DM), lambda i: (i, 0)),
    out_shape=jax.ShapeDtypeStruct((N, DM), jnp.float32),
)


@functools.partial(
    pl.kernel,
    out_type=[
        jax.ShapeDtypeStruct((E, DM), jnp.float32),
        jax.ShapeDtypeStruct((E, DM), jnp.float32),
    ],
    mesh=_sc_mesh,
    scratch_types=[
        pltpu.VMEM((CH,), jnp.int32),
        pltpu.VMEM((CH,), jnp.int32),
        pltpu.VMEM((CH, DM), jnp.float32),
        pltpu.VMEM((CH, DM), jnp.float32),
        pltpu.SemaphoreType.DMA,
        pltpu.SemaphoreType.DMA,
    ],
)
def _gather_edges(nodes, senders, receivers, se_out, re_out,
                  idx_s, idx_r, rows_s, rows_r, sem_s, sem_r):
    wid = lax.axis_index("s") * NC + lax.axis_index("c")
    base = wid * EPW

    def body(i, carry):
        off = base + i * CH
        pltpu.sync_copy(senders.at[pl.ds(off, CH)], idx_s)
        pltpu.sync_copy(receivers.at[pl.ds(off, CH)], idx_r)
        cp_s = pltpu.async_copy(nodes.at[idx_s], rows_s, sem_s)
        cp_r = pltpu.async_copy(nodes.at[idx_r], rows_r, sem_r)
        cp_s.wait()
        cp_r.wait()
        pltpu.sync_copy(rows_s, se_out.at[pl.ds(off, CH)])
        pltpu.sync_copy(rows_r, re_out.at[pl.ds(off, CH)])
        return carry

    lax.fori_loop(0, NCH, body, 0)


def _edge_math_body(se_ref, re_ref, ef_ref, we_ref, web_ref, a16_ref, m16_ref,
                    y_ref, w16_ref):
    se = se_ref[...]
    x = (se + re_ref[...]
         + jnp.dot(ef_ref[...], we_ref[...], preferred_element_type=jnp.float32)
         + web_ref[...])
    m = x * jnp.tanh(jax.nn.softplus(x))
    w = jnp.exp(jnp.dot(m, a16_ref[...], preferred_element_type=jnp.float32))
    y_ref[...] = se * jnp.dot(w, m16_ref[...],
                              preferred_element_type=jnp.float32)
    w16_ref[...] = w


_EB = 512

_edge_math = pl.pallas_call(
    _edge_math_body,
    grid=(E // _EB,),
    in_specs=[
        pl.BlockSpec((_EB, DM), lambda i: (i, 0)),
        pl.BlockSpec((_EB, DM), lambda i: (i, 0)),
        pl.BlockSpec((_EB, D_EDGE), lambda i: (i, 0)),
        pl.BlockSpec((D_EDGE, DM), lambda i: (0, 0)),
        pl.BlockSpec((1, DM), lambda i: (0, 0)),
        pl.BlockSpec((DM, HD), lambda i: (0, 0)),
        pl.BlockSpec((HD, DM), lambda i: (0, 0)),
    ],
    out_specs=[
        pl.BlockSpec((_EB, DM), lambda i: (i, 0)),
        pl.BlockSpec((_EB, HD), lambda i: (i, 0)),
    ],
    out_shape=[
        jax.ShapeDtypeStruct((E, DM), jnp.float32),
        jax.ShapeDtypeStruct((E, HD), jnp.float32),
    ],
)


_SB = 512


def _tc_scatter_body(rcv_ref, y_ref, w_ref,
                     acc_y0_ref, acc_s0_ref, acc_y1_ref, acc_s1_ref):
    pid = pl.program_id(0)

    @pl.when(pid == 0)
    def _init():
        acc_y0_ref[...] = jnp.zeros((N, DM), jnp.float32)
        acc_s0_ref[...] = jnp.zeros((N, HD), jnp.float32)
        acc_y1_ref[...] = jnp.zeros((N, DM), jnp.float32)
        acc_s1_ref[...] = jnp.zeros((N, HD), jnp.float32)

    def body(i, carry):
        j = i * 2
        r0 = rcv_ref[j]
        r1 = rcv_ref[j + 1]
        acc_y0_ref[pl.ds(r0, 1), :] = (acc_y0_ref[pl.ds(r0, 1), :]
                                       + y_ref[pl.ds(j, 1), :])
        acc_y1_ref[pl.ds(r1, 1), :] = (acc_y1_ref[pl.ds(r1, 1), :]
                                       + y_ref[pl.ds(j + 1, 1), :])
        acc_s0_ref[pl.ds(r0, 1), :] = (acc_s0_ref[pl.ds(r0, 1), :]
                                       + w_ref[pl.ds(j, 1), :])
        acc_s1_ref[pl.ds(r1, 1), :] = (acc_s1_ref[pl.ds(r1, 1), :]
                                       + w_ref[pl.ds(j + 1, 1), :])
        return carry

    lax.fori_loop(0, _SB // 2, body, 0)


_scatter_edges = pl.pallas_call(
    _tc_scatter_body,
    grid=(E // _SB,),
    in_specs=[
        pl.BlockSpec((_SB,), lambda i: (i,), memory_space=pltpu.SMEM),
        pl.BlockSpec((_SB, DM), lambda i: (i, 0)),
        pl.BlockSpec((_SB, HD), lambda i: (i, 0)),
    ],
    out_specs=[
        pl.BlockSpec((N, DM), lambda i: (0, 0)),
        pl.BlockSpec((N, HD), lambda i: (0, 0)),
        pl.BlockSpec((N, DM), lambda i: (0, 0)),
        pl.BlockSpec((N, HD), lambda i: (0, 0)),
    ],
    out_shape=[
        jax.ShapeDtypeStruct((N, DM), jnp.float32),
        jax.ShapeDtypeStruct((N, HD), jnp.float32),
        jax.ShapeDtypeStruct((N, DM), jnp.float32),
        jax.ShapeDtypeStruct((N, HD), jnp.float32),
    ],
)


def _finalize_body(acc_y0_ref, acc_s0_ref, acc_y1_ref, acc_s1_ref,
                   m16_ref, out_ref):
    ys = acc_y0_ref[...] + acc_y1_ref[...]
    ss = acc_s0_ref[...] + acc_s1_ref[...]
    out_ref[...] = ys / jnp.dot(ss, m16_ref[...],
                                preferred_element_type=jnp.float32)


_finalize = pl.pallas_call(
    _finalize_body,
    grid=(10,),
    in_specs=[
        pl.BlockSpec((1000, DM), lambda i: (i, 0)),
        pl.BlockSpec((1000, HD), lambda i: (i, 0)),
        pl.BlockSpec((1000, DM), lambda i: (i, 0)),
        pl.BlockSpec((1000, HD), lambda i: (i, 0)),
        pl.BlockSpec((HD, DM), lambda i: (0, 0)),
    ],
    out_specs=pl.BlockSpec((1000, DM), lambda i: (i, 0)),
    out_shape=jax.ShapeDtypeStruct((N, DM), jnp.float32),
)


def kernel(node_features, edge_features, global_features, senders, receivers,
           W_kernel, W_bias, We_kernel, We_bias, a):
    del global_features
    senders = senders.astype(jnp.int32)
    receivers = receivers.astype(jnp.int32)

    sel8 = jnp.eye(H, HD, dtype=jnp.float32)
    a16 = jnp.reshape(a[:, :, None] * sel8[:, None, :], (DM, HD))
    m16 = jnp.reshape(jnp.eye(HD, H, dtype=jnp.float32)[:, :, None]
                      * jnp.ones((1, 1, HD), jnp.float32), (HD, DM))

    send_nodes = _node_proj(node_features, W_kernel, W_bias.reshape(1, DM))
    se, re = _gather_edges(send_nodes, senders, receivers)
    y, w16 = _edge_math(se, re, edge_features, We_kernel,
                        We_bias.reshape(1, DM), a16, m16)
    ay0, as0, ay1, as1 = _scatter_edges(receivers, y, w16)
    return _finalize(ay0, as0, ay1, as1, m16)

# --- scband reference (transcript-rebuilt; emitter-appended) ---
"""Pipeline reference for scband-gatv2-66030827209333 (READ-ONLY COPY).

The authoritative reference and input builder live on the scoring server;
editing this copy changes nothing except your own understanding.
"""

import jax, jax.numpy as jnp
import numpy as np

N = 10000
E = 320000
D_FEAT = 128
D_EDGE = 16
EMBED_DIM = 128
NUM_HEADS = 8
HEAD_DIM = EMBED_DIM // NUM_HEADS


def mish(x):
    return x * jnp.tanh(jax.nn.softplus(x))


def segment_softmax(logits, segment_ids, num_segments):
    seg_max = jax.ops.segment_max(logits, segment_ids, num_segments)
    shifted = logits - seg_max[segment_ids]
    unnorm = jnp.exp(shifted)
    denom = jax.ops.segment_sum(unnorm, segment_ids, num_segments)
    return unnorm / denom[segment_ids]


def setup_inputs(seed: int = 0) -> dict:
    key = jax.random.key(seed)
    ks = jax.random.split(key, 8)
    node_features = jax.random.normal(ks[0], (N, D_FEAT), dtype=jnp.float32)
    edge_features = jax.random.normal(ks[1], (E, D_EDGE), dtype=jnp.float32)
    global_features = jax.random.normal(ks[2], (32,), dtype=jnp.float32)
    senders = jax.random.randint(ks[3], (E,), 0, N)
    receivers = jax.random.randint(ks[4], (E,), 0, N)
    # Learned parameters (share_weights=True -> single Dense of embed_dim)
    W_kernel = jax.random.normal(ks[5], (D_FEAT, EMBED_DIM), dtype=jnp.float32) * (1.0 / np.sqrt(D_FEAT))
    W_bias = jnp.zeros((EMBED_DIM,), dtype=jnp.float32)
    We_kernel = jax.random.normal(ks[6], (D_EDGE, EMBED_DIM), dtype=jnp.float32) * (1.0 / np.sqrt(D_EDGE))
    We_bias = jnp.zeros((EMBED_DIM,), dtype=jnp.float32)
    a = jax.random.normal(ks[7], (NUM_HEADS, HEAD_DIM), dtype=jnp.float32) * 0.1
    return {
        "node_features": node_features,
        "edge_features": edge_features,
        "global_features": global_features,
        "senders": senders,
        "receivers": receivers,
        "W_kernel": W_kernel,
        "W_bias": W_bias,
        "We_kernel": We_kernel,
        "We_bias": We_bias,
        "a": a,
    }


def reference(node_features, edge_features, global_features, senders, receivers,
              W_kernel, W_bias, We_kernel, We_bias, a):
    # share_weights=True: one Dense projection used for both send and recv
    send_nodes = node_features @ W_kernel + W_bias
    recv_nodes = send_nodes
    send_edges = jnp.take(send_nodes, senders, axis=0)
    recv_edges = jnp.take(recv_nodes, receivers, axis=0)
    x = send_edges + recv_edges
    x = x + (edge_features @ We_kernel + We_bias)
    # add_self_edges=False
    x = mish(x)
    xh = x.reshape(-1, NUM_HEADS, HEAD_DIM)
    attn_logits = jnp.sum(xh * a[None, :, :], axis=-1, keepdims=True)  # [E, H, 1]
    attn_weights = segment_softmax(attn_logits, receivers, N)          # [E, H, 1]
    edges = send_edges.reshape(-1, NUM_HEADS, HEAD_DIM) * attn_weights
    edges = edges.reshape(-1, EMBED_DIM)
    new_nodes = jax.ops.segment_sum(edges, receivers, N)
    return new_nodes

if __name__ == "__main__":
    import jax
    _d = setup_inputs()
    print(jax.jit(kernel)(*tuple(_d.values())))

</pallas_src>

<mosaic_0001>
#map = affine_map<(d0, d1) -> (0, 0)>
#map1 = affine_map<(d0, d1) -> (0)>
module attributes {stable_mosaic.version = 14 : i64} {
  func.func @_gather_edges(%arg0: i32, %arg1: i32, %arg2: memref<10000x128xf32, #tpu.memory_space<hbm>>, %arg3: memref<320000xi32, #tpu.memory_space<hbm>>, %arg4: memref<320000xi32, #tpu.memory_space<hbm>>, %arg5: memref<320000x128xf32, #tpu.memory_space<hbm>>, %arg6: memref<320000x128xf32, #tpu.memory_space<hbm>>, %arg7: memref<80xi32, #tpu.memory_space<vmem>>, %arg8: memref<80xi32, #tpu.memory_space<vmem>>, %arg9: memref<80x128xf32, #tpu.memory_space<vmem>>, %arg10: memref<80x128xf32, #tpu.memory_space<vmem>>, %arg11: memref<!tpu.dma_semaphore, #tpu.memory_space<semaphore_mem>>, %arg12: memref<!tpu.dma_semaphore, #tpu.memory_space<semaphore_mem>>) attributes {dimension_semantics = [#tpu.dimension_semantics<core_parallel>, #tpu.dimension_semantics<subcore_parallel>], iteration_bounds = array<i64: 2, 16>, scalar_prefetch = 0 : i64, scratch_operands = 6 : i64, tpu.core_type = #tpu.core_type<sc_vector_subcore>, window_params = [{transform_indices = #map}, {transform_indices = #map1}, {transform_indices = #map1}, {transform_indices = #map}, {transform_indices = #map}]} {
    %mul3A = arith.constant 2 : i32
    %mul3A_0 = arith.muli %arg1, %mul3A : i32
    %add3A = arith.addi %mul3A_0, %arg0 : i32
    %mul3A_1 = arith.constant 10000 : i32
    %mul3A_2 = arith.muli %add3A, %mul3A_1 : i32
    %scan3A = arith.constant 0 : i32
    %scan3A_3 = arith.constant 0 : i32
    %scan3A_4 = arith.constant 125 : i32
    %scan3A_5 = arith.addi %scan3A_3, %scan3A_4 : i32
    %scan3A_6 = arith.constant 1 : i32
    scf.for %scan3A_8 = %scan3A_3 to %scan3A_5 step %scan3A_6  : i32 {
      %mul3A_9 = arith.constant 80 : i32
      %mul3A_10 = arith.muli %scan3A_8, %mul3A_9 : i32
      %add3A_11 = arith.addi %mul3A_2, %mul3A_10 : i32
      "tpu.region"() ({
        %run_scoped3A = tpu.sem_alloc : memref<!tpu.dma_semaphore, #tpu.memory_space<semaphore_mem>>
        %dma_start3A_22 = tpu.memref_slice %arg3[%add3A_11] : memref<320000xi32, #tpu.memory_space<hbm>> -> memref<80xi32, #tpu.memory_space<hbm>>
        %dma_start3A_23 = tpu.memref_slice %arg3[%add3A_11] : memref<320000xi32, #tpu.memory_space<hbm>> -> memref<80xi32, #tpu.memory_space<hbm>>
        tpu.enqueue_dma source(%dma_start3A_23 : memref<80xi32, #tpu.memory_space<hbm>>) target(%arg7 : memref<80xi32, #tpu.memory_space<vmem>>) target_semaphore(%run_scoped3A : memref<!tpu.dma_semaphore, #tpu.memory_space<semaphore_mem>>)
        %dma_wait3A_24 = tpu.memref_slice %arg3[%add3A_11] : memref<320000xi32, #tpu.memory_space<hbm>> -> memref<80xi32, #tpu.memory_space<hbm>>
        %dma_wait3A_25 = tpu.memref_slice %arg3[%add3A_11] : memref<320000xi32, #tpu.memory_space<hbm>> -> memref<80xi32, #tpu.memory_space<hbm>>
        tpu.wait_dma2 semaphore(%run_scoped3A : memref<!tpu.dma_semaphore, #tpu.memory_space<semaphore_mem>>) src(%dma_wait3A_25 : memref<80xi32, #tpu.memory_space<hbm>>) dst(%arg7 : memref<80xi32, #tpu.memory_space<vmem>>)
        tpu.yield
      }) : () -> ()
      "tpu.region"() ({
        %run_scoped3A = tpu.sem_alloc : memref<!tpu.dma_semaphore, #tpu.memory_space<semaphore_mem>>
        %dma_start3A_22 = tpu.memref_slice %arg4[%add3A_11] : memref<320000xi32, #tpu.memory_space<hbm>> -> memref<80xi32, #tpu.memory_space<hbm>>
        %dma_start3A_23 = tpu.memref_slice %arg4[%add3A_11] : memref<320000xi32, #tpu.memory_space<hbm>> -> memref<80xi32, #tpu.memory_space<hbm>>
        tpu.enqueue_dma source(%dma_start3A_23 : memref<80xi32, #tpu.memory_space<hbm>>) target(%arg8 : memref<80xi32, #tpu.memory_space<vmem>>) target_semaphore(%run_scoped3A : memref<!tpu.dma_semaphore, #tpu.memory_space<semaphore_mem>>)
        %dma_wait3A_24 = tpu.memref_slice %arg4[%add3A_11] : memref<320000xi32, #tpu.memory_space<hbm>> -> memref<80xi32, #tpu.memory_space<hbm>>
        %dma_wait3A_25 = tpu.memref_slice %arg4[%add3A_11] : memref<320000xi32, #tpu.memory_space<hbm>> -> memref<80xi32, #tpu.memory_space<hbm>>
        tpu.wait_dma2 semaphore(%run_scoped3A : memref<!tpu.dma_semaphore, #tpu.memory_space<semaphore_mem>>) src(%dma_wait3A_25 : memref<80xi32, #tpu.memory_space<hbm>>) dst(%arg8 : memref<80xi32, #tpu.memory_space<vmem>>)
        tpu.yield
      }) : () -> ()
      %dma_start3A = arith.constant 0 : i32
      %dma_start3A_12 = arith.constant 0 : i32
      %dma_start3A_13 = tpu.memref_slice %arg2[%dma_start3A, %dma_start3A_12] : memref<10000x128xf32, #tpu.memory_space<hbm>> -> memref<10000x128xf32, #tpu.memory_space<hbm>>
      tpu.enqueue_indirect_dma source(%dma_start3A_13 : memref<10000x128xf32, #tpu.memory_space<hbm>>) target(%arg9 : memref<80x128xf32, #tpu.memory_space<vmem>>) offsets(%arg7 : memref<80xi32, #tpu.memory_space<vmem>>) semaphore(%arg11 : memref<!tpu.dma_semaphore, #tpu.memory_space<semaphore_mem>>)
      %dma_start3A_14 = arith.constant 0 : i32
      %dma_start3A_15 = arith.constant 0 : i32
      %dma_start3A_16 = tpu.memref_slice %arg2[%dma_start3A_14, %dma_start3A_15] : memref<10000x128xf32, #tpu.memory_space<hbm>> -> memref<10000x128xf32, #tpu.memory_space<hbm>>
      tpu.enqueue_indirect_dma source(%dma_start3A_16 : memref<10000x128xf32, #tpu.memory_space<hbm>>) target(%arg10 : memref<80x128xf32, #tpu.memory_space<vmem>>) offsets(%arg8 : memref<80xi32, #tpu.memory_space<vmem>>) semaphore(%arg12 : memref<!tpu.dma_semaphore, #tpu.memory_space<semaphore_mem>>)
      %dma_wait3A = arith.constant 0 : i32
      %dma_wait3A_17 = arith.constant 0 : i32
      %dma_wait3A_18 = tpu.memref_slice %arg2[%dma_wait3A, %dma_wait3A_17] : memref<10000x128xf32, #tpu.memory_space<hbm>> -> memref<10000x128xf32, #tpu.memory_space<hbm>>
      tpu.wait_indirect_dma semaphore(%arg11 : memref<!tpu.dma_semaphore, #tpu.memory_space<semaphore_mem>>) src(%dma_wait3A_18 : memref<10000x128xf32, #tpu.memory_space<hbm>>) dst(%arg9 : memref<80x128xf32, #tpu.memory_space<vmem>>)
      %dma_wait3A_19 = arith.constant 0 : i32
      %dma_wait3A_20 = arith.constant 0 : i32
      %dma_wait3A_21 = tpu.memref_slice %arg2[%dma_wait3A_19, %dma_wait3A_20] : memref<10000x128xf32, #tpu.memory_space<hbm>> -> memref<10000x128xf32, #tpu.memory_space<hbm>>
      tpu.wait_indirect_dma semaphore(%arg12 : memref<!tpu.dma_semaphore, #tpu.memory_space<semaphore_mem>>) src(%dma_wait3A_21 : memref<10000x128xf32, #tpu.memory_space<hbm>>) dst(%arg10 : memref<80x128xf32, #tpu.memory_space<vmem>>)
      "tpu.region"() ({
        %run_scoped3A = tpu.sem_alloc : memref<!tpu.dma_semaphore, #tpu.memory_space<semaphore_mem>>
        %dma_start3A_22 = arith.constant 0 : i32
        %dma_start3A_23 = tpu.memref_slice %arg5[%add3A_11, %dma_start3A_22] : memref<320000x128xf32, #tpu.memory_space<hbm>> -> memref<80x128xf32, #tpu.memory_space<hbm>>
        %dma_start3A_24 = arith.constant 0 : i32
        %dma_start3A_25 = tpu.memref_slice %arg5[%add3A_11, %dma_start3A_24] : memref<320000x128xf32, #tpu.memory_space<hbm>> -> memref<80x128xf32, #tpu.memory_space<hbm>>
        tpu.enqueue_dma source(%arg9 : memref<80x128xf32, #tpu.memory_space<vmem>>) target(%dma_start3A_25 : memref<80x128xf32, #tpu.memory_space<hbm>>) target_semaphore(%run_scoped3A : memref<!tpu.dma_semaphore, #tpu.memory_space<semaphore_mem>>)
        %dma_wait3A_26 = arith.constant 0 : i32
        %dma_wait3A_27 = tpu.memref_slice %arg5[%add3A_11, %dma_wait3A_26] : memref<320000x128xf32, #tpu.memory_space<hbm>> -> memref<80x128xf32, #tpu.memory_space<hbm>>
        %dma_wait3A_28 = arith.constant 0 : i32
        %dma_wait3A_29 = tpu.memref_slice %arg5[%add3A_11, %dma_wait3A_28] : memref<320000x128xf32, #tpu.memory_space<hbm>> -> memref<80x128xf32, #tpu.memory_space<hbm>>
        tpu.wait_dma2 semaphore(%run_scoped3A : memref<!tpu.dma_semaphore, #tpu.memory_space<semaphore_mem>>) src(%arg9 : memref<80x128xf32, #tpu.memory_space<vmem>>) dst(%dma_wait3A_29 : memref<80x128xf32, #tpu.memory_space<hbm>>)
        tpu.yield
      }) : () -> ()
      "tpu.region"() ({
        %run_scoped3A = tpu.sem_alloc : memref<!tpu.dma_semaphore, #tpu.memory_space<semaphore_mem>>
        %dma_start3A_22 = arith.constant 0 : i32
        %dma_start3A_23 = tpu.memref_slice %arg6[%add3A_11, %dma_start3A_22] : memref<320000x128xf32, #tpu.memory_space<hbm>> -> memref<80x128xf32, #tpu.memory_space<hbm>>
        %dma_start3A_24 = arith.constant 0 : i32
        %dma_start3A_25 = tpu.memref_slice %arg6[%add3A_11, %dma_start3A_24] : memref<320000x128xf32, #tpu.memory_space<hbm>> -> memref<80x128xf32, #tpu.memory_space<hbm>>
        tpu.enqueue_dma source(%arg10 : memref<80x128xf32, #tpu.memory_space<vmem>>) target(%dma_start3A_25 : memref<80x128xf32, #tpu.memory_space<hbm>>) target_semaphore(%run_scoped3A : memref<!tpu.dma_semaphore, #tpu.memory_space<semaphore_mem>>)
        %dma_wait3A_26 = arith.constant 0 : i32
        %dma_wait3A_27 = tpu.memref_slice %arg6[%add3A_11, %dma_wait3A_26] : memref<320000x128xf32, #tpu.memory_space<hbm>> -> memref<80x128xf32, #tpu.memory_space<hbm>>
        %dma_wait3A_28 = arith.constant 0 : i32
        %dma_wait3A_29 = tpu.memref_slice %arg6[%add3A_11, %dma_wait3A_28] : memref<320000x128xf32, #tpu.memory_space<hbm>> -> memref<80x128xf32, #tpu.memory_space<hbm>>
        tpu.wait_dma2 semaphore(%run_scoped3A : memref<!tpu.dma_semaphore, #tpu.memory_space<semaphore_mem>>) src(%arg10 : memref<80x128xf32, #tpu.memory_space<vmem>>) dst(%dma_wait3A_29 : memref<80x128xf32, #tpu.memory_space<hbm>>)
        tpu.yield
      }) : () -> ()
    }
    %scan3A_7 = arith.constant 125 : i32
    return
  }
}

module attributes {stable_mosaic.version = 14 : i64} {
  func.func @_tc_scatter_body(%arg0: i32, %arg1: memref<512xi32, #tpu.memory_space<smem>>, %arg2: memref<512x128xf32, #tpu.memory_space<vmem>>, %arg3: memref<512x16xf32, #tpu.memory_space<vmem>>, %arg4: memref<10000x128xf32, #tpu.memory_space<vmem>>, %arg5: memref<10000x16xf32, #tpu.memory_space<vmem>>, %arg6: memref<10000x128xf32, #tpu.memory_space<vmem>>, %arg7: memref<10000x16xf32, #tpu.memory_space<vmem>>) attributes {dimension_semantics = [#tpu.dimension_semantics<arbitrary>], iteration_bounds = array<i64: 625>, scalar_prefetch = 0 : i64, scratch_operands = 0 : i64, tpu.core_type = #tpu.core_type<tc>, window_params = [{transform_indices = @transform_0, window_bounds = array<i64: 512>}, {transform_indices = @transform_1, window_bounds = array<i64: 512, 128>}, {transform_indices = @transform_2, window_bounds = array<i64: 512, 16>}, {pipeline_mode = #tpu.pipeline_mode<synchronous>, transform_indices = @transform_3, window_bounds = array<i64: 10000, 128>}, {pipeline_mode = #tpu.pipeline_mode<synchronous>, transform_indices = @transform_4, window_bounds = array<i64: 10000, 16>}, {pipeline_mode = #tpu.pipeline_mode<synchronous>, transform_indices = @transform_5, window_bounds = array<i64: 10000, 128>}, {pipeline_mode = #tpu.pipeline_mode<synchronous>, transform_indices = @transform_6, window_bounds = array<i64: 10000, 16>}]} {
    %eq3A = arith.constant 0 : i32
    %eq3A_0 = arith.cmpi eq, %arg0, %eq3A : i32
    %convert_element_type3A = arith.extui %eq3A_0 : i1 to i32
    %cond3A = arith.constant 0 : i32
    %cond3A_1 = arith.cmpi ne, %convert_element_type3A, %cond3A : i32
    scf.if %cond3A_1 {
      %broadcast_in_dim3A = arith.constant 0.000000e+00 : f32
      %broadcast_in_dim3A_6 = vector.broadcast %broadcast_in_dim3A : f32 to vector<10000x128xf32>
      %swap3A = arith.constant 0 : index
      %swap3A_7 = arith.constant 0 : index
      %swap3A_8 = vector.load %arg4[%swap3A, %swap3A_7] : memref<10000x128xf32, #tpu.memory_space<vmem>>, vector<10000x128xf32>
      tpu.vector_store %arg4[%swap3A, %swap3A_7], %broadcast_in_dim3A_6 {strides = array<i32>} : memref<10000x128xf32, #tpu.memory_space<vmem>>, vector<10000x128xf32>,
      %broadcast_in_dim3A_9 = arith.constant 0.000000e+00 : f32
      %broadcast_in_dim3A_10 = vector.broadcast %broadcast_in_dim3A_9 : f32 to vector<10000x16xf32>
      %swap3A_11 = arith.constant 0 : index
      %swap3A_12 = arith.constant 0 : index
      %swap3A_13 = vector.load %arg5[%swap3A_11, %swap3A_12] : memref<10000x16xf32, #tpu.memory_space<vmem>>, vector<10000x16xf32>
      tpu.vector_store %arg5[%swap3A_11, %swap3A_12], %broadcast_in_dim3A_10 {strides = array<i32>} : memref<10000x16xf32, #tpu.memory_space<vmem>>, vector<10000x16xf32>,
      %broadcast_in_dim3A_14 = arith.constant 0.000000e+00 : f32
      %broadcast_in_dim3A_15 = vector.broadcast %broadcast_in_dim3A_14 : f32 to vector<10000x128xf32>
      %swap3A_16 = arith.constant 0 : index
      %swap3A_17 = arith.constant 0 : index
      %swap3A_18 = vector.load %arg6[%swap3A_16, %swap3A_17] : memref<10000x128xf32, #tpu.memory_space<vmem>>, vector<10000x128xf32>
      tpu.vector_store %arg6[%swap3A_16, %swap3A_17], %broadcast_in_dim3A_15 {strides = array<i32>} : memref<10000x128xf32, #tpu.memory_space<vmem>>, vector<10000x128xf32>,
      %broadcast_in_dim3A_19 = arith.constant 0.000000e+00 : f32
      %broadcast_in_dim3A_20 = vector.broadcast %broadcast_in_dim3A_19 : f32 to vector<10000x16xf32>
      %swap3A_21 = arith.constant 0 : index
      %swap3A_22 = arith.constant 0 : index
      %swap3A_23 = vector.load %arg7[%swap3A_21, %swap3A_22] : memref<10000x16xf32, #tpu.memory_space<vmem>>, vector<10000x16xf32>
      tpu.vector_store %arg7[%swap3A_21, %swap3A_22], %broadcast_in_dim3A_20 {strides = array<i32>} : memref<10000x16xf32, #tpu.memory_space<vmem>>, vector<10000x16xf32>,
    } else {
    }
    %scan3A = arith.constant 0 : i32
    %scan3A_2 = arith.constant 256 : i32
    %scan3A_3 = arith.addi %scan3A, %scan3A_2 : i32
    %scan3A_4 = arith.constant 1 : i32
    scf.for %scan3A_6 = %scan3A to %scan3A_3 step %scan3A_4  : i32 {
      %mul3A = arith.constant 2 : i32
      %mul3A_7 = arith.muli %scan3A_6, %mul3A : i32
      %get3A = arith.index_cast %mul3A_7 : i32 to index
      %get3A_8 = memref.load %arg1[%get3A] : memref<512xi32, #tpu.memory_space<smem>>
      %add3A = arith.constant 1 : i32
      %add3A_9 = arith.addi %mul3A_7, %add3A : i32
      %get3A_10 = arith.index_cast %add3A_9 : i32 to index
      %get3A_11 = memref.load %arg1[%get3A_10] : memref<512xi32, #tpu.memory_space<smem>>
      %get3A_12 = arith.index_cast %get3A_8 : i32 to index
      %get3A_13 = arith.constant 0 : index
      %get3A_14 = vector.load %arg4[%get3A_12, %get3A_13] : memref<10000x128xf32, #tpu.memory_space<vmem>>, vector<1x128xf32>
      %get3A_15 = arith.index_cast %mul3A_7 : i32 to index
      %get3A_16 = arith.constant 0 : index
      %get3A_17 = vector.load %arg2[%get3A_15, %get3A_16] : memref<512x128xf32, #tpu.memory_space<vmem>>, vector<1x128xf32>
      %add3A_18 = arith.addf %get3A_14, %get3A_17 : vector<1x128xf32>
      %swap3A = arith.index_cast %get3A_8 : i32 to index
      %swap3A_19 = arith.constant 0 : index
      %swap3A_20 = vector.load %arg4[%swap3A, %swap3A_19] : memref<10000x128xf32, #tpu.memory_space<vmem>>, vector<1x128xf32>
      tpu.vector_store %arg4[%swap3A, %swap3A_19], %add3A_18 {strides = array<i32>} : memref<10000x128xf32, #tpu.memory_space<vmem>>, vector<1x128xf32>,
      %get3A_21 = arith.index_cast %get3A_11 : i32 to index
      %get3A_22 = arith.constant 0 : index
      %get3A_23 = vector.load %arg6[%get3A_21, %get3A_22] : memref<10000x128xf32, #tpu.memory_space<vmem>>, vector<1x128xf32>
      %add3A_24 = arith.constant 1 : i32
      %add3A_25 = arith.addi %mul3A_7, %add3A_24 : i32
      %get3A_26 = arith.index_cast %add3A_25 : i32 to index
      %get3A_27 = arith.constant 0 : index
      %get3A_28 = vector.load %arg2[%get3A_26, %get3A_27] : memref<512x128xf32, #tpu.memory_space<vmem>>, vector<1x128xf32>
      %add3A_29 = arith.addf %get3A_23, %get3A_28 : vector<1x128xf32>
      %swap3A_30 = arith.index_cast %get3A_11 : i32 to index
      %swap3A_31 = arith.constant 0 : index
      %swap3A_32 = vector.load %arg6[%swap3A_30, %swap3A_31] : memref<10000x128xf32, #tpu.memory_space<vmem>>, vector<1x128xf32>
      tpu.vector_store %arg6[%swap3A_30, %swap3A_31], %add3A_29 {strides = array<i32>} : memref<10000x128xf32, #tpu.memory_space<vmem>>, vector<1x128xf32>,
      %get3A_33 = arith.index_cast %get3A_8 : i32 to index
      %get3A_34 = arith.constant 0 : index
      %get3A_35 = vector.load %arg5[%get3A_33, %get3A_34] : memref<10000x16xf32, #tpu.memory_space<vmem>>, vector<1x16xf32>
      %get3A_36 = arith.index_cast %mul3A_7 : i32 to index
      %get3A_37 = arith.constant 0 : index
      %get3A_38 = vector.load %arg3[%get3A_36, %get3A_37] : memref<512x16xf32, #tpu.memory_space<vmem>>, vector<1x16xf32>
      %add3A_39 = arith.addf %get3A_35, %get3A_38 : vector<1x16xf32>
      %swap3A_40 = arith.index_cast %get3A_8 : i32 to index
      %swap3A_41 = arith.constant 0 : index
      %swap3A_42 = vector.load %arg5[%swap3A_40, %swap3A_41] : memref<10000x16xf32, #tpu.memory_space<vmem>>, vector<1x16xf32>
      tpu.vector_store %arg5[%swap3A_40, %swap3A_41], %add3A_39 {strides = array<i32>} : memref<10000x16xf32, #tpu.memory_space<vmem>>, vector<1x16xf32>,
      %get3A_43 = arith.index_cast %get3A_11 : i32 to index
      %get3A_44 = arith.constant 0 : index
      %get3A_45 = vector.load %arg7[%get3A_43, %get3A_44] : memref<10000x16xf32, #tpu.memory_space<vmem>>, vector<1x16xf32>
      %add3A_46 = arith.constant 1 : i32
      %add3A_47 = arith.addi %mul3A_7, %add3A_46 : i32
      %get3A_48 = arith.index_cast %add3A_47 : i32 to index
      %get3A_49 = arith.constant 0 : index
      %get3A_50 = vector.load %arg3[%get3A_48, %get3A_49] : memref<512x16xf32, #tpu.memory_space<vmem>>, vector<1x16xf32>
      %add3A_51 = arith.addf %get3A_45, %get3A_50 : vector<1x16xf32>
      %swap3A_52 = arith.index_cast %get3A_11 : i32 to index
      %swap3A_53 = arith.constant 0 : index
      %swap3A_54 = vector.load %arg7[%swap3A_52, %swap3A_53] : memref<10000x16xf32, #tpu.memory_space<vmem>>, vector<1x16xf32>
      tpu.vector_store %arg7[%swap3A_52, %swap3A_53], %add3A_51 {strides = array<i32>} : memref<10000x16xf32, #tpu.memory_space<vmem>>, vector<1x16xf32>,
    }
    %scan3A_5 = arith.constant 256 : i32
    return
  }
  func.func @transform_0(%arg0: i32) -> i32 {
    %c0_i32 = arith.constant 0 : i32
    return %arg0 : i32
  }
  func.func @transform_1(%arg0: i32) -> (i32, i32) {
    %c0_i32 = arith.constant 0 : i32
    %c0_i32_0 = arith.constant 0 : i32
    return %arg0, %c0_i32 : i32, i32
  }
  func.func @transform_2(%arg0: i32) -> (i32, i32) {
    %c0_i32 = arith.constant 0 : i32
    %c0_i32_0 = arith.constant 0 : i32
    return %arg0, %c0_i32 : i32, i32
  }
  func.func @transform_3(%arg0: i32) -> (i32, i32) {
    %c0_i32 = arith.constant 0 : i32
    %c0_i32_0 = arith.constant 0 : i32
    %c0_i32_1 = arith.constant 0 : i32
    return %c0_i32, %c0_i32_0 : i32, i32
  }
  func.func @transform_4(%arg0: i32) -> (i32, i32) {
    %c0_i32 = arith.constant 0 : i32
    %c0_i32_0 = arith.constant 0 : i32
    %c0_i32_1 = arith.constant 0 : i32
    return %c0_i32, %c0_i32_0 : i32, i32
  }
  func.func @transform_5(%arg0: i32) -> (i32, i32) {
    %c0_i32 = arith.constant 0 : i32
    %c0_i32_0 = arith.constant 0 : i32
    %c0_i32_1 = arith.constant 0 : i32
    return %c0_i32, %c0_i32_0 : i32, i32
  }
  func.func @transform_6(%arg0: i32) -> (i32, i32) {
    %c0_i32 = arith.constant 0 : i32
    %c0_i32_0 = arith.constant 0 : i32
    %c0_i32_1 = arith.constant 0 : i32
    return %c0_i32, %c0_i32_0 : i32, i32
  }
}

module attributes {stable_mosaic.version = 14 : i64} {
  func.func @_edge_math_body(%arg0: i32, %arg1: memref<512x128xf32, #tpu.memory_space<vmem>>, %arg2: memref<512x128xf32, #tpu.memory_space<vmem>>, %arg3: memref<512x16xf32, #tpu.memory_space<vmem>>, %arg4: memref<16x128xf32, #tpu.memory_space<vmem>>, %arg5: memref<1x128xf32, #tpu.memory_space<vmem>>, %arg6: memref<128x16xf32, #tpu.memory_space<vmem>>, %arg7: memref<16x128xf32, #tpu.memory_space<vmem>>, %arg8: memref<512x128xf32, #tpu.memory_space<vmem>>, %arg9: memref<512x16xf32, #tpu.memory_space<vmem>>) attributes {dimension_semantics = [#tpu.dimension_semantics<arbitrary>], iteration_bounds = array<i64: 625>, scalar_prefetch = 0 : i64, scratch_operands = 0 : i64, tpu.core_type = #tpu.core_type<tc>, window_params = [{transform_indices = @transform_0, window_bounds = array<i64: 512, 128>}, {transform_indices = @transform_1, window_bounds = array<i64: 512, 128>}, {transform_indices = @transform_2, window_bounds = array<i64: 512, 16>}, {pipeline_mode = #tpu.pipeline_mode<synchronous>, transform_indices = @transform_3, window_bounds = array<i64: 16, 128>}, {pipeline_mode = #tpu.pipeline_mode<synchronous>, transform_indices = @transform_4, window_bounds = array<i64: 1, 128>}, {pipeline_mode = #tpu.pipeline_mode<synchronous>, transform_indices = @transform_5, window_bounds = array<i64: 128, 16>}, {pipeline_mode = #tpu.pipeline_mode<synchronous>, transform_indices = @transform_6, window_bounds = array<i64: 16, 128>}, {transform_indices = @transform_7, window_bounds = array<i64: 512, 128>}, {transform_indices = @transform_8, window_bounds = array<i64: 512, 16>}]} {
    %get3A = arith.constant 0 : index
    %get3A_0 = arith.constant 0 : index
    %get3A_1 = vector.load %arg1[%get3A, %get3A_0] : memref<512x128xf32, #tpu.memory_space<vmem>>, vector<512x128xf32>
    %get3A_2 = arith.constant 0 : index
    %get3A_3 = arith.constant 0 : index
    %get3A_4 = vector.load %arg2[%get3A_2, %get3A_3] : memref<512x128xf32, #tpu.memory_space<vmem>>, vector<512x128xf32>
    %add3A = arith.addf %get3A_1, %get3A_4 : vector<512x128xf32>
    %get3A_5 = arith.constant 0 : index
    %get3A_6 = arith.constant 0 : index
    %get3A_7 = vector.load %arg3[%get3A_5, %get3A_6] : memref<512x16xf32, #tpu.memory_space<vmem>>, vector<512x16xf32>
    %get3A_8 = arith.constant 0 : index
    %get3A_9 = arith.constant 0 : index
    %get3A_10 = vector.load %arg4[%get3A_8, %get3A_9] : memref<16x128xf32, #tpu.memory_space<vmem>>, vector<16x128xf32>
    %dot_general3A = arith.constant dense<0.000000e+00> : vector<512x128xf32>
    %dot_general3A_11 = tpu.matmul %get3A_7, %get3A_10, %dot_general3A {dimension_numbers = #tpu.dot_dimension_numbers<[1], [0], [0], [1], [0, 0, 1, 1], [], []>, transpose_lhs_hint = false} : vector<512x16xf32>, vector<16x128xf32>, vector<512x128xf32> -> vector<512x128xf32>
    %add3A_12 = arith.addf %add3A, %dot_general3A_11 : vector<512x128xf32>
    %get3A_13 = arith.constant 0 : index
    %get3A_14 = arith.constant 0 : index
    %get3A_15 = vector.load %arg5[%get3A_13, %get3A_14] : memref<1x128xf32, #tpu.memory_space<vmem>>, vector<1x128xf32>
    %add3A_16 = vector.broadcast %get3A_15 : vector<1x128xf32> to vector<512x128xf32>
    %add3A_17 = arith.addf %add3A_12, %add3A_16 : vector<512x128xf32>
    %custom_jvp_call3A = arith.constant 0.000000e+00 : f32
    %max3A = vector.broadcast %custom_jvp_call3A : f32 to vector<512x128xf32>
    %max3A_18 = arith.maximumf %add3A_17, %max3A : vector<512x128xf32>
    %sub3A = vector.broadcast %custom_jvp_call3A : f32 to vector<512x128xf32>
    %sub3A_19 = arith.subf %add3A_17, %sub3A : vector<512x128xf32>
    %ne3A = arith.cmpf one, %sub3A_19, %sub3A_19 : vector<512x128xf32>
    %add3A_20 = vector.broadcast %custom_jvp_call3A : f32 to vector<512x128xf32>
    %add3A_21 = arith.addf %add3A_17, %add3A_20 : vector<512x128xf32>
    %abs3A = math.absf %sub3A_19 : vector<512x128xf32>
    %neg3A = arith.constant 0.000000e+00 : f32
    %neg3A_22 = vector.broadcast %neg3A : f32 to vector<512x128xf32>
    %neg3A_23 = arith.subf %neg3A_22, %abs3A : vector<512x128xf32>
    %exp3A = math.exp %neg3A_23 : vector<512x128xf32>
    %log1p3A = math.log1p %exp3A : vector<512x128xf32>
    %add3A_24 = arith.addf %max3A_18, %log1p3A : vector<512x128xf32>
    %select_n3A = arith.select %ne3A, %add3A_21, %add3A_24 : vector<512x128xi1>, vector<512x128xf32>
    %tanh3A = math.tanh %select_n3A : vector<512x128xf32>
    %mul3A = arith.mulf %add3A_17, %tanh3A : vector<512x128xf32>
    %get3A_25 = arith.constant 0 : index
    %get3A_26 = arith.constant 0 : index
    %get3A_27 = vector.load %arg6[%get3A_25, %get3A_26] : memref<128x16xf32, #tpu.memory_space<vmem>>, vector<128x16xf32>
    %dot_general3A_28 = arith.constant dense<0.000000e+00> : vector<512x16xf32>
    %dot_general3A_29 = tpu.matmul %mul3A, %get3A_27, %dot_general3A_28 {dimension_numbers = #tpu.dot_dimension_numbers<[1], [0], [0], [1], [0, 0, 1, 1], [], []>, transpose_lhs_hint = false} : vector<512x128xf32>, vector<128x16xf32>, vector<512x16xf32> -> vector<512x16xf32>
    %exp3A_30 = math.exp %dot_general3A_29 : vector<512x16xf32>
    %get3A_31 = arith.constant 0 : index
    %get3A_32 = arith.constant 0 : index
    %get3A_33 = vector.load %arg7[%get3A_31, %get3A_32] : memref<16x128xf32, #tpu.memory_space<vmem>>, vector<16x128xf32>
    %dot_general3A_34 = arith.constant dense<0.000000e+00> : vector<512x128xf32>
    %dot_general3A_35 = tpu.matmul %exp3A_30, %get3A_33, %dot_general3A_34 {dimension_numbers = #tpu.dot_dimension_numbers<[1], [0], [0], [1], [0, 0, 1, 1], [], []>, transpose_lhs_hint = false} : vector<512x16xf32>, vector<16x128xf32>, vector<512x128xf32> -> vector<512x128xf32>
    %mul3A_36 = arith.mulf %get3A_1, %dot_general3A_35 : vector<512x128xf32>
    %swap3A = arith.constant 0 : index
    %swap3A_37 = arith.constant 0 : index
    %swap3A_38 = vector.load %arg8[%swap3A, %swap3A_37] : memref<512x128xf32, #tpu.memory_space<vmem>>, vector<512x128xf32>
    tpu.vector_store %arg8[%swap3A, %swap3A_37], %mul3A_36 {strides = array<i32>} : memref<512x128xf32, #tpu.memory_space<vmem>>, vector<512x128xf32>,
    %swap3A_39 = arith.constant 0 : index
    %swap3A_40 = arith.constant 0 : index
    %swap3A_41 = vector.load %arg9[%swap3A_39, %swap3A_40] : memref<512x16xf32, #tpu.memory_space<vmem>>, vector<512x16xf32>
    tpu.vector_store %arg9[%swap3A_39, %swap3A_40], %exp3A_30 {strides = array<i32>} : memref<512x16xf32, #tpu.memory_space<vmem>>, vector<512x16xf32>,
    return
  }
  func.func @transform_0(%arg0: i32) -> (i32, i32) {
    %c0_i32 = arith.constant 0 : i32
    %c0_i32_0 = arith.constant 0 : i32
    return %arg0, %c0_i32 : i32, i32
  }
  func.func @transform_1(%arg0: i32) -> (i32, i32) {
    %c0_i32 = arith.constant 0 : i32
    %c0_i32_0 = arith.constant 0 : i32
    return %arg0, %c0_i32 : i32, i32
  }
  func.func @transform_2(%arg0: i32) -> (i32, i32) {
    %c0_i32 = arith.constant 0 : i32
    %c0_i32_0 = arith.constant 0 : i32
    return %arg0, %c0_i32 : i32, i32
  }
  func.func @transform_3(%arg0: i32) -> (i32, i32) {
    %c0_i32 = arith.constant 0 : i32
    %c0_i32_0 = arith.constant 0 : i32
    %c0_i32_1 = arith.constant 0 : i32
    return %c0_i32, %c0_i32_0 : i32, i32
  }
  func.func @transform_4(%arg0: i32) -> (i32, i32) {
    %c0_i32 = arith.constant 0 : i32
    %c0_i32_0 = arith.constant 0 : i32
    %c0_i32_1 = arith.constant 0 : i32
    return %c0_i32, %c0_i32_0 : i32, i32
  }
  func.func @transform_5(%arg0: i32) -> (i32, i32) {
    %c0_i32 = arith.constant 0 : i32
    %c0_i32_0 = arith.constant 0 : i32
    %c0_i32_1 = arith.constant 0 : i32
    return %c0_i32, %c0_i32_0 : i32, i32
  }
  func.func @transform_6(%arg0: i32) -> (i32, i32) {
    %c0_i32 = arith.constant 0 : i32
    %c0_i32_0 = arith.constant 0 : i32
    %c0_i32_1 = arith.constant 0 : i32
    return %c0_i32, %c0_i32_0 : i32, i32
  }
  func.func @transform_7(%arg0: i32) -> (i32, i32) {
    %c0_i32 = arith.constant 0 : i32
    %c0_i32_0 = arith.constant 0 : i32
    return %arg0, %c0_i32 : i32, i32
  }
  func.func @transform_8(%arg0: i32) -> (i32, i32) {
    %c0_i32 = arith.constant 0 : i32
    %c0_i32_0 = arith.constant 0 : i32
    return %arg0, %c0_i32 : i32, i32
  }
}

module attributes {stable_mosaic.version = 14 : i64} {
  func.func @_node_proj_body(%arg0: i32, %arg1: memref<1000x128xf32, #tpu.memory_space<vmem>>, %arg2: memref<128x128xf32, #tpu.memory_space<vmem>>, %arg3: memref<1x128xf32, #tpu.memory_space<vmem>>, %arg4: memref<1000x128xf32, #tpu.memory_space<vmem>>) attributes {dimension_semantics = [#tpu.dimension_semantics<arbitrary>], iteration_bounds = array<i64: 10>, scalar_prefetch = 0 : i64, scratch_operands = 0 : i64, tpu.core_type = #tpu.core_type<tc>, window_params = [{transform_indices = @transform_0, window_bounds = array<i64: 1000, 128>}, {pipeline_mode = #tpu.pipeline_mode<synchronous>, transform_indices = @transform_1, window_bounds = array<i64: 128, 128>}, {pipeline_mode = #tpu.pipeline_mode<synchronous>, transform_indices = @transform_2, window_bounds = array<i64: 1, 128>}, {transform_indices = @transform_3, window_bounds = array<i64: 1000, 128>}]} {
    %get3A = arith.constant 0 : index
    %get3A_0 = arith.constant 0 : index
    %get3A_1 = vector.load %arg1[%get3A, %get3A_0] : memref<1000x128xf32, #tpu.memory_space<vmem>>, vector<1000x128xf32>
    %get3A_2 = arith.constant 0 : index
    %get3A_3 = arith.constant 0 : index
    %get3A_4 = vector.load %arg2[%get3A_2, %get3A_3] : memref<128x128xf32, #tpu.memory_space<vmem>>, vector<128x128xf32>
    %dot_general3A = arith.constant dense<0.000000e+00> : vector<1000x128xf32>
    %dot_general3A_5 = tpu.matmul %get3A_1, %get3A_4, %dot_general3A {dimension_numbers = #tpu.dot_dimension_numbers<[1], [0], [0], [1], [0, 0, 1, 1], [], []>, transpose_lhs_hint = false} : vector<1000x128xf32>, vector<128x128xf32>, vector<1000x128xf32> -> vector<1000x128xf32>
    %get3A_6 = arith.constant 0 : index
    %get3A_7 = arith.constant 0 : index
    %get3A_8 = vector.load %arg3[%get3A_6, %get3A_7] : memref<1x128xf32, #tpu.memory_space<vmem>>, vector<1x128xf32>
    %add3A = vector.broadcast %get3A_8 : vector<1x128xf32> to vector<1000x128xf32>
    %add3A_9 = arith.addf %dot_general3A_5, %add3A : vector<1000x128xf32>
    %swap3A = arith.constant 0 : index
    %swap3A_10 = arith.constant 0 : index
    %swap3A_11 = vector.load %arg4[%swap3A, %swap3A_10] : memref<1000x128xf32, #tpu.memory_space<vmem>>, vector<1000x128xf32>
    tpu.vector_store %arg4[%swap3A, %swap3A_10], %add3A_9 {strides = array<i32>} : memref<1000x128xf32, #tpu.memory_space<vmem>>, vector<1000x128xf32>,
    return
  }
  func.func @transform_0(%arg0: i32) -> (i32, i32) {
    %c0_i32 = arith.constant 0 : i32
    %c0_i32_0 = arith.constant 0 : i32
    return %arg0, %c0_i32 : i32, i32
  }
  func.func @transform_1(%arg0: i32) -> (i32, i32) {
    %c0_i32 = arith.constant 0 : i32
    %c0_i32_0 = arith.constant 0 : i32
    %c0_i32_1 = arith.constant 0 : i32
    return %c0_i32, %c0_i32_0 : i32, i32
  }
  func.func @transform_2(%arg0: i32) -> (i32, i32) {
    %c0_i32 = arith.constant 0 : i32
    %c0_i32_0 = arith.constant 0 : i32
    %c0_i32_1 = arith.constant 0 : i32
    return %c0_i32, %c0_i32_0 : i32, i32
  }
  func.func @transform_3(%arg0: i32) -> (i32, i32) {
    %c0_i32 = arith.constant 0 : i32
    %c0_i32_0 = arith.constant 0 : i32
    return %arg0, %c0_i32 : i32, i32
  }
}

module attributes {stable_mosaic.version = 14 : i64} {
  func.func @_finalize_body(%arg0: i32, %arg1: memref<1000x128xf32, #tpu.memory_space<vmem>>, %arg2: memref<1000x16xf32, #tpu.memory_space<vmem>>, %arg3: memref<1000x128xf32, #tpu.memory_space<vmem>>, %arg4: memref<1000x16xf32, #tpu.memory_space<vmem>>, %arg5: memref<16x128xf32, #tpu.memory_space<vmem>>, %arg6: memref<1000x128xf32, #tpu.memory_space<vmem>>) attributes {dimension_semantics = [#tpu.dimension_semantics<arbitrary>], iteration_bounds = array<i64: 10>, scalar_prefetch = 0 : i64, scratch_operands = 0 : i64, tpu.core_type = #tpu.core_type<tc>, window_params = [{transform_indices = @transform_0, window_bounds = array<i64: 1000, 128>}, {transform_indices = @transform_1, window_bounds = array<i64: 1000, 16>}, {transform_indices = @transform_2, window_bounds = array<i64: 1000, 128>}, {transform_indices = @transform_3, window_bounds = array<i64: 1000, 16>}, {pipeline_mode = #tpu.pipeline_mode<synchronous>, transform_indices = @transform_4, window_bounds = array<i64: 16, 128>}, {transform_indices = @transform_5, window_bounds = array<i64: 1000, 128>}]} {
    %get3A = arith.constant 0 : index
    %get3A_0 = arith.constant 0 : index
    %get3A_1 = vector.load %arg1[%get3A, %get3A_0] : memref<1000x128xf32, #tpu.memory_space<vmem>>, vector<1000x128xf32>
    %get3A_2 = arith.constant 0 : index
    %get3A_3 = arith.constant 0 : index
    %get3A_4 = vector.load %arg3[%get3A_2, %get3A_3] : memref<1000x128xf32, #tpu.memory_space<vmem>>, vector<1000x128xf32>
    %add3A = arith.addf %get3A_1, %get3A_4 : vector<1000x128xf32>
    %get3A_5 = arith.constant 0 : index
    %get3A_6 = arith.constant 0 : index
    %get3A_7 = vector.load %arg2[%get3A_5, %get3A_6] : memref<1000x16xf32, #tpu.memory_space<vmem>>, vector<1000x16xf32>
    %get3A_8 = arith.constant 0 : index
    %get3A_9 = arith.constant 0 : index
    %get3A_10 = vector.load %arg4[%get3A_8, %get3A_9] : memref<1000x16xf32, #tpu.memory_space<vmem>>, vector<1000x16xf32>
    %add3A_11 = arith.addf %get3A_7, %get3A_10 : vector<1000x16xf32>
    %get3A_12 = arith.constant 0 : index
    %get3A_13 = arith.constant 0 : index
    %get3A_14 = vector.load %arg5[%get3A_12, %get3A_13] : memref<16x128xf32, #tpu.memory_space<vmem>>, vector<16x128xf32>
    %dot_general3A = arith.constant dense<0.000000e+00> : vector<1000x128xf32>
    %dot_general3A_15 = tpu.matmul %add3A_11, %get3A_14, %dot_general3A {dimension_numbers = #tpu.dot_dimension_numbers<[1], [0], [0], [1], [0, 0, 1, 1], [], []>, transpose_lhs_hint = false} : vector<1000x16xf32>, vector<16x128xf32>, vector<1000x128xf32> -> vector<1000x128xf32>
    %div3A = arith.divf %add3A, %dot_general3A_15 : vector<1000x128xf32>
    %swap3A = arith.constant 0 : index
    %swap3A_16 = arith.constant 0 : index
    %swap3A_17 = vector.load %arg6[%swap3A, %swap3A_16] : memref<1000x128xf32, #tpu.memory_space<vmem>>, vector<1000x128xf32>
    tpu.vector_store %arg6[%swap3A, %swap3A_16], %div3A {strides = array<i32>} : memref<1000x128xf32, #tpu.memory_space<vmem>>, vector<1000x128xf32>,
    return
  }
  func.func @transform_0(%arg0: i32) -> (i32, i32) {
    %c0_i32 = arith.constant 0 : i32
    %c0_i32_0 = arith.constant 0 : i32
    return %arg0, %c0_i32 : i32, i32
  }
  func.func @transform_1(%arg0: i32) -> (i32, i32) {
    %c0_i32 = arith.constant 0 : i32
    %c0_i32_0 = arith.constant 0 : i32
    return %arg0, %c0_i32 : i32, i32
  }
  func.func @transform_2(%arg0: i32) -> (i32, i32) {
    %c0_i32 = arith.constant 0 : i32
    %c0_i32_0 = arith.constant 0 : i32
    return %arg0, %c0_i32 : i32, i32
  }
  func.func @transform_3(%arg0: i32) -> (i32, i32) {
    %c0_i32 = arith.constant 0 : i32
    %c0_i32_0 = arith.constant 0 : i32
    return %arg0, %c0_i32 : i32, i32
  }
  func.func @transform_4(%arg0: i32) -> (i32, i32) {
    %c0_i32 = arith.constant 0 : i32
    %c0_i32_0 = arith.constant 0 : i32
    %c0_i32_1 = arith.constant 0 : i32
    return %c0_i32, %c0_i32_0 : i32, i32
  }
  func.func @transform_5(%arg0: i32) -> (i32, i32) {
    %c0_i32 = arith.constant 0 : i32
    %c0_i32_0 = arith.constant 0 : i32
    return %arg0, %c0_i32 : i32, i32
  }
}

</mosaic_0001>

<sc_bundles>
// kernel: kernel.7.cloned.1.call-start
scs
__scs_entry_jumppad:
0x0: {  	(pc) =	sbr.rel $0x88, $3  }
0x1: {  	(tag) =	ssettag $0x0;
	lr =	simm.s32 $0x1  }
0x2: {  	[smem:$0x3F98] =	sst lr;
	_ =	strace $0xD0000000  }
0x3: {  	_ = 	snop  }
0x4: {  	_ = 	snop  }
0x5: {  	_ = 	snop  }
0x6: {  	_ = 	snop  }
0x7: {  	_ = 	snop  }
__scs_overlays_trampoline_lowered:
0x8: {  	[smem:$0x3FA7] =	sst s0  }
0x9: {  	[smem:$0x3FA8] =	sst s1  }
0xa: {  	[smem:$0x3FA9] =	sst s2  }
0xb: {  	[smem:$0x3FAA] =	sst s3  }
0xc: {  	[smem:$0x3FAB] =	sst s4  }
0xd: {  	[smem:$0x3FAC] =	sst s5  }
0xe: {  	[smem:$0x3FAD] =	sst s6  }
0xf: {  	[smem:$0x3FAE] =	sst s7  }
0x10: {  	[smem:$0x3FAF] =	sst s8  }
0x11: {  	[smem:$0x3FB0] =	sst s9;
	s0 =	simm.s32 @!p0 $0x0  }
0x12: {  	s1 =	sld [smem:$0x3F96];
	s0 =	simm.s32 @p0 $0x1  }
0x13: {  	[smem:$0x3FB1] =	sst s0;
	s0 =	simm.s32 @!p1 $0x0  }
0x14: {  	s2 =	sld [smem:$0x3F95];
	s0 =	simm.s32 @p1 $0x1  }
0x15: {  	[smem:$0x3FB2] =	sst s0;
	s0 =	simm.s32 @!p2 $0x0  }
0x16: {  	s3 =	sld [smem:$0x3FDB];
	s0 =	simm.s32 @p2 $0x1  }
0x17: {  	s4 =	simm.s32 $0x1BF5;
	[smem:$0x3FB4] =	sst s0  }
0x18: {  	s0 =	sld [smem:$0x3F97];
	_ =	swait.ge [sflag:s4], $0x0  }
0x19: {  	s7 =	sld [smem:$0x3F98]  }
0x1a: {  	s8 =	sadd.s32 $0xFFFFE003, lr  }
0x1b: {  	s9 =	sadd.s32 $0xFFFFFEF7, lr;
	s5 =	simm.s32 $0xFFFFFFFF;
	p2 =	slt.u32 s8, $0xFFFFF086  }
0x1c: {  	p1 =	slt.u32 s9, $0xF7A;
	s5 =	simm.s32 @!p2 $0x0  }
0x1d: {  	s5 =	simm.s32 @p1 $0x1;
	p0 =	seq.s32 s7, s2  }
0x1e: {  	s7 =	smul.u32 @!p0 $0xF7A, s2;
	p2 =	seq.s32 @!p0 s5, $0x0  }
0x1f: {  	s9 =	smul.u32 $0xF7A, s1;
	s8 =	simm.s32 @!p0 $0x1BF5;
	p2 =	por !p2, p0  }
0x20: {  	[sflag:s8] =	ssyncset.s32 @!p0 $0xFFFFF086;
	s6 =	sadd.s32 @!p0 s3, s7;
	s7 =	simm.s32 @!p0 $0x108  }
0x21: {  	s3 =	sadd.s32 s3, s9;
	s6 =	sadd.s32 @!p0 $0x88, s6;
	s7 =	simm.s32 @p2 $0x1082  }
0x22: {  	[simem:s7], [sflag:s8] =	dma.local @!p0 [hbm:s6], $0xF7A  }
0x23: {  	s9 =	sor.u32 $0xD0000000, s2;
	s6 =	simm.s32 $0x108;
	_ =	swait.ge @!p0 [sflag:s8], $0x0  }
0x24: {  	s3 =	sadd.s32 $0x88, s3;
	s6 =	simm.s32 @!p1 $0x1082;
	[sflag:s4] =	ssyncset.s32 $0xFFFFF086  }
0x25: {  	[simem:s6], [sflag:s4] =	dma.local [hbm:s3], $0xF7A  }
0x26: {  	[smem:$0x3F98] =	sst s1;
	(tag) =	ssettag s2;
	_ =	strace s9  }
0x27: {  	s1 =	sld [smem:$0x3FA8]  }
0x28: {  	s2 =	sld [smem:$0x3FA9]  }
0x29: {  	s4 =	sld [smem:$0x3FAB]  }
0x2a: {  	p0 =	seq.s32 s5, $0x0;
	s5 =	sld [smem:$0x3FAC]  }
0x2b: {  	s6 =	sld [smem:$0x3FAD]  }
0x2c: {  	s7 =	sld [smem:$0x3FAE]  }
0x2d: {  	s3 =	simm.s32 $0x108;
	s8 =	sld [smem:$0x3FAF]  }
0x2e: {  	s3 =	simm.s32 @!p0 $0x1082;
	s9 =	sld [smem:$0x3FB0]  }
0x2f: {  	lr =	sadd.s32 s0, s3;
	s0 =	sld [smem:$0x3FA7]  }
0x30: {  	s3 =	sld [smem:$0x3FAA]  }
0x31: {  	[smem:$0x3FB3] =	sst s10  }
0x32: {  	s10 =	sld [smem:$0x3FB1];
	_ =	sdelay $0x3  }
0x33: {  	p0 =	seq.s32 s10, $0x1;
	s10 =	sld [smem:$0x3FB3];
	_ =	sdelay $0x3  }
0x34: {  	[smem:$0x3FB3] =	sst s10  }
0x35: {  	s10 =	sld [smem:$0x3FB2];
	_ =	sdelay $0x3  }
0x36: {  	p1 =	seq.s32 s10, $0x1;
	s10 =	sld [smem:$0x3FB3];
	_ =	sdelay $0x3  }
0x37: {  	[smem:$0x3FB3] =	sst s10  }
0x38: {  	s10 =	sld [smem:$0x3FB4]  }
0x39: {  	_ = 	snop;
	(pc) =	sbr.ind lr, $3  }
0x3a: {  	_ = 	snop  }
0x3b: {  	_ = 	snop  }
0x3c: {  	p2 =	seq.s32 s10, $0x1;
	s10 =	sld [smem:$0x3FB3]  }
0x3d: {  	_ =	shalt  }
0x3e: {  	_ =	shalt  }
0x3f: {  	_ =	shalt  }
0x40: {  	_ =	shalt  }
0x41: {  	_ =	shalt  }
0x42: {  	_ =	shalt  }
0x43: {  	_ =	shalt  }
0x44: {  	_ =	shalt  }
0x45: {  	_ =	shalt  }
0x46: {  	_ =	shalt  }
0x47: {  	_ =	shalt  }
0x48: {  	_ =	shalt  }
0x49: {  	_ =	shalt  }
0x4a: {  	_ =	shalt  }
0x4b: {  	_ =	shalt  }
0x4c: {  	_ =	shalt  }
0x4d: {  	_ =	shalt  }
0x4e: {  	_ =	shalt  }
0x4f: {  	_ =	shalt  }
0x50: {  	_ =	shalt  }
0x51: {  	_ =	shalt  }
0x52: {  	_ =	shalt  }
0x53: {  	_ =	shalt  }
0x54: {  	_ =	shalt  }
0x55: {  	_ =	shalt  }
0x56: {  	_ =	shalt  }
0x57: {  	_ =	shalt  }
0x58: {  	_ =	shalt  }
0x59: {  	_ =	shalt  }
0x5a: {  	_ =	shalt  }
0x5b: {  	_ =	shalt  }
0x5c: {  	_ =	shalt  }
0x5d: {  	_ =	shalt  }
0x5e: {  	_ =	shalt  }
0x5f: {  	_ =	shalt  }
0x60: {  	_ =	shalt  }
0x61: {  	_ =	shalt  }
0x62: {  	_ =	shalt  }
0x63: {  	_ =	shalt  }
0x64: {  	_ =	shalt  }
0x65: {  	_ =	shalt  }
0x66: {  	_ =	shalt  }
0x67: {  	_ =	shalt  }
0x68: {  	_ =	shalt  }
0x69: {  	_ =	shalt  }
0x6a: {  	_ =	shalt  }
0x6b: {  	_ =	shalt  }
0x6c: {  	_ =	shalt  }
0x6d: {  	_ =	shalt  }
0x6e: {  	_ =	shalt  }
0x6f: {  	_ =	shalt  }
0x70: {  	_ =	shalt  }
0x71: {  	_ =	shalt  }
0x72: {  	_ =	shalt  }
0x73: {  	_ =	shalt  }
0x74: {  	_ =	shalt  }
0x75: {  	_ =	shalt  }
0x76: {  	_ =	shalt  }
0x77: {  	_ =	shalt  }
0x78: {  	_ =	shalt  }
0x79: {  	_ =	shalt  }
0x7a: {  	_ =	shalt  }
0x7b: {  	_ =	shalt  }
0x7c: {  	_ =	shalt  }
0x7d: {  	_ =	shalt  }
0x7e: {  	_ =	shalt  }
0x7f: {  	_ =	shalt  }
0x80: {  	_ =	shalt  }
0x81: {  	_ =	shalt  }
0x82: {  	_ =	shalt  }
0x83: {  	_ =	shalt  }
0x84: {  	_ =	shalt  }
0x85: {  	_ =	shalt  }
0x86: {  	_ =	shalt  }
0x87: {  	_ =	shalt  }
.Lfunc_end0:
.L_simem_size_0:
called_computation_lowered:
.L_overlay_start_0:
0x88: {  	s2 =	sld [smem:$0x3FD9]  }
0x89: {  	s3 =	sld [smem:$0x3FFE];
	_ =	sdelay $0x1  }
0x8a: {  	s1 =	srdreg.scid  }
0x8b: {  	s0 =	sand.u32 $0x1, s1  }
0x8c: {  	s17 =	sshll.u32 s0, $0xA;
	s2 =	sadd.s32 s3, s2  }
0x8d: {  	s2 =	sadd.s32 s2, s17  }
0x8e: {  	[smem:$0x3FBF] =	sst s2  }
0x8f: {  	_ = 	snop  }
0x90: {  	s2 =	sld [smem:$0x3FC7]  }
0x91: {  	s18 =	sld [smem:$0x3FC6]  }
0x92: {  	s4 =	sld [smem:$0x3FD0];
	(tm) =	ssettm $0x1  }
0x93: {  	s5 =	sld [smem:$0x3FFB];
	_ =	sdelay $0x3  }
0x94: {  	_ =	strace s5  }
0x95: {  	s5 =	sld [smem:$0x3FFC];
	_ =	sdelay $0x3  }
0x96: {  	_ =	strace s5  }
0x97: {  	s5 =	sld [smem:$0x3FFD];
	_ =	sdelay $0x3  }
0x98: {  	_ =	strace s5  }
0x99: {  	_ =	strace $0x8FFFFFFF  }
0x9a: {  	s19 =	sld [smem:$0x3FDB];
	_ =	sdelay $0x1  }
0x9b: {  	s6 =	simm.s32 $_scs_section_size  }
0x9c: {  	s7 =	simm.s32 $_size__tile_overlayer_lowered;
	s8 =	simm.s32 $_tile_overlayer_lowered  }
0x9d: {  	s22 =	simm.s32 $0x1BFF;
	s21 =	sshll.u32 s8, $0x1;
	s5 =	sadd.s32 s6, s19  }
0x9e: {  	s9 =	simm.s32 $0x0;
	s20 =	sshll.u32 s7, $0x1;
	s7 =	sadd.s32 s21, s5  }
0x9f: {  	[timem:s9], [sflag:s22] =	dma.local [hbm:s7], s20  }
0xa0: {  	_ =	swait.ge [sflag:s22], s20  }
0xa1: {  	s6 =	ssub.s32 $0x0, s20;
	[sflag:s22] =	ssyncset.done $0x0  }
0xa2: {  	[sflag:s22] =	ssyncadd.s32 s6;
	_ =	sdelay $0x1  }
0xa3: {  	s23 =	simm.s32 $0x1B8B  }
0xa4: {  	_ =	swait.ge [sflag:s23], $0x1  }
0xa5: {  	[sflag:s23] =	ssyncset.done $0x0  }
0xa6: {  	s25 =	simm.s32 $0x1B8E;
	s24 =	sld [smem:$0x3FFE];
	[sflag:s23] =	ssyncadd.s32 $0xFFFFFFFF  }
0xa7: {  	s26 =	simm.s32 $execute0_lowered;
	[smem:$0x3FD2] =	sst s25  }
0xa8: {  	s7 =	sshll.u32 s26, $0x1;
	_ =	strace $0x80000046;
	[dreg:$0x1] =	wrdreg $0xFFFFFFFF  }
0xa9: {  	s28 =	simm.s32 $_size_execute0_lowered;
	s5 =	sadd.s32 s5, s7;
	[dreg:$0x0] =	wrdreg $0x0  }
0xaa: {  	s7 =	sshll.u32 s28, $0x1;
	[dreg:$0x2] =	wrdreg s5  }
0xab: {  	[dreg:$0x3] =	wrdreg s7  }
0xac: {  	[dreg:$0x4] =	wrdreg $0xC0  }
0xad: {  	_ =	task [dreg:s9], $0x5FFFF  }
0xae: {  	[dreg:$0x1] =	wrdreg $0xFFFFFFFF  }
0xaf: {  	[dreg:$0x0] =	wrdreg $0x60  }
0xb0: {  	[dreg:$0x2] =	wrdreg s4  }
0xb1: {  	[dreg:$0x3] =	wrdreg s2  }
0xb2: {  	[dreg:$0x4] =	wrdreg s18  }
0xb3: {  	[dreg:$0x5] =	wrdreg s24  }
0xb4: {  	[dreg:$0x6] =	wrdreg $0x9  }
0xb5: {  	_ =	task.clear_ibuf [dreg:s9], $0x7FFFF;
	_ =	strace $0x90000046  }
0xb6: {  	s29 =	simm.s32 $0x9;
	_ =	strace $0x80000048  }
0xb7: {  	_ =	swait.ge [sflag:s29], $0x1  }
0xb8: {  	[sflag:s29] =	ssyncadd.s32 $0xFFFFFFFF  }
0xb9: {  	_ =	strace $0x90000048  }
0xba: {  	_ =	sfence  }
0xbb: {  	s30 =	sld [smem:$0x0];
	_ =	sdelay $0x2  }
0xbc: {  	s31 =	sshll.u32 s1, $0xD;
	s1 =	sshrl.u32 s1, $0x2  }
0xbd: {  	s3 =	sand.u32 $0x4000, s31;
	s1 =	sadd.s32 s1, s30  }
0xbe: {  	s0 =	sor.u32 s3, s0;
	s1 =	sshll.u32 s1, $0x11  }
0xbf: {  	s0 =	sor.u32 s1, s0  }
0xc0: {  	s0 =	sadd.s32 $0x8F2B, s0  }
0xc1: {  	[sflag:s0] =	ssyncadd.remote.s32 $0x1  }
0xc2: {  	_ =	sfence.sel $0xFFFF  }
0xc3: {  	[dreg:$0x0] =	wrdreg $0xFFFFFFFF;
	(pc) =	sbr.abs _section_cstart, $3  }
0xc4: {  	[dreg:$0x1] =	wrdreg $0xFFFFFFFF  }
0xc5: {  	_ =	task.clear_ibuf [dreg:s9], $0x2FFFF;
	_ =	strace $0x9FFFFFFF  }
0xc6: {  	(tm) =	ssettm $0x7FFFFFFF  }
0xc7: {  	_ =	shalt  }
tec
execute0_lowered:
.L_overlay_start_1:
0x0: {  	(tag) =	ssettag $0x1  }
0x1: {  	s1 =	rddreg [dreg:$0x0]  }
0x2: {  	s8 =	rddreg [dreg:$0x1]  }
0x3: {  	s7 =	rddreg [dreg:$0x2]  }
0x4: {  	s4 =	rddreg [dreg:$0x3]  }
0x5: {  	s0 =	rddreg [dreg:$0x4]  }
0x6: {  	s2 =	stileid.u32;
	s6 =	srdreg.scid;
	s3 =	simm.s32 $0x0  }
0x7: {  	s13 =	simm.s32 $0x2900;
	s14 =	simm.s32 $0x1;
	s5 =	smul.u32 $0x4E200, s2  }
0x8: {  	s15 =	simm.s32 $0x2;
	s6 =	sand.u32 $0x1, s6;
	s9 =	smul.u32 $0x4E20, s2  }
0x9: {  	s16 =	simm.s32 $0x0;
	s10 =	ssub.s32 $0x2, s6;
	s11 =	smul.u32 $0x2710, s6  }
0xa: {  	[smem:$0x7FF] =	sst s3;
	s6 =	smul.u32 $0x27100, s6;
	s12 =	sshrl.u32 s10, $0x1  }
0xb: {  	_ =	strace $0x80000047;
	s5 =	sadd.s32 s5, s4;
	s31 =	ssub.s32 s10, s12  }
0xc: {  	s9 =	sadd.s32 s11, s9;
	s6 =	sadd.s32 s6, s5;
	s10 =	simm.s32 $0x80  }
0xd: {  	s11 =	simm.s32 $0x50;
	s12 =	simm.s32 $0x100;
	s4 =	smax.u32 s31, $0x1  }
0xe: {  	s9 =	sshrl.u32 s9, $0x3;
	s5 =	sadd.s32 $0x1E00, s6;
	s6 =	sadd.s32 $0x4E3E00, s6  }
0xf: {  	s7 =	sadd.s32 s9, s7;
	s8 =	sadd.s32 s9, s8;
	s9 =	simm.s32 $0x3  }
.LBB2_1:
0x10: {  	s17 =	sadd.s32 $0x0, s8  }
0x11: {  	[tilespmem:s3], [sflag:$0x3] =	stream.linear.gather [hbm4b:s17+s3], $0x50, $0x38;
	[tilespmem:$0x5100] =	vst v63  }
0x12: {  	_ =	swait.ge [sflag:s9], $0x50  }
0x13: {  	[sflag:s9] =	ssyncset.done $0x0  }
0x14: {  	s31 =	sadd.s32 $0x0, s7;
	[sflag:s9] =	ssyncadd.s32 $0xFFFFFFB0  }
0x15: {  	[tilespmem:s10], [sflag:$0x3] =	stream.linear.gather [hbm4b:s31+s3], $0x50, $0x38;
	[tilespmem:$0x5100] =	vst v63  }
0x16: {  	_ =	swait.ge [sflag:s9], $0x50  }
0x17: {  	[sflag:s9] =	ssyncset.done $0x0  }
0x18: {  	[sflag:s9] =	ssyncadd.s32 $0xFFFFFFB0  }
0x19: {  	[tilespmem:s12], [sflag:$0x1] =	stream.indirect.gather [hbm4b:s1+s11], $0x80, s3, s11, $0xb8;
	[tilespmem:$0x5100] =	vst v63  }
0x1a: {  	_ = 	snop  }
0x1b: {  	[tilespmem:s13], [sflag:$0x2] =	stream.indirect.gather [hbm4b:s1+s11], $0x80, s10, s11, $0xb8;
	[tilespmem:$0x5100] =	vst v63  }
0x1c: {  	_ =	swait.ge [sflag:s14], $0x2800  }
0x1d: {  	[sflag:s14] =	ssyncset.done $0x0  }
0x1e: {  	[sflag:s14] =	ssyncadd.s32 $0xFFFFD800  }
0x1f: {  	_ =	swait.ge [sflag:s15], $0x2800  }
0x20: {  	[sflag:s15] =	ssyncset.done $0x0  }
0x21: {  	[sflag:s15] =	ssyncadd.s32 $0xFFFFD800  }
0x22: {  	[hbm4b:s5+s3] =	stream.linear.scatter [tilespmem:s12], [sflag:$0x3], $0x2800, $0x38;
	[tilespmem:$0x5100] =	vst v63  }
0x23: {  	_ =	swait.ge [sflag:s9], $0x2800  }
0x24: {  	[sflag:s9] =	ssyncset.done $0x0  }
0x25: {  	[sflag:s9] =	ssyncadd.s32 $0xFFFFD800  }
0x26: {  	[hbm4b:s6+s3] =	stream.linear.scatter [tilespmem:s13], [sflag:$0x3], $0x2800, $0x38;
	[tilespmem:$0x5100] =	vst v63  }
0x27: {  	s19 =	simm.s32 $0xA;
	s20 =	simm.s32 $0x14;
	_ =	swait.ge [sflag:s9], $0x2800  }
0x28: {  	s18 =	sadd.s32 $0x500, s5;
	s17 =	sadd.s32 $0x500, s6;
	[sflag:s9] =	ssyncset.done $0x0  }
.LBB2_2:
0x29: {  	s21 =	sadd.s32 s19, s8  }
0x2a: {  	[sflag:s9] =	ssyncadd.s32 $0xFFFFD800;
	s22 =	smov.u32 s20;
	s23 =	sadd.s32 $0xA, s20  }
0x2b: {  	[tilespmem:s3], [sflag:$0x3] =	stream.linear.gather [hbm4b:s21+s3], $0x50, $0x38;
	[tilespmem:$0x5100] =	vst v63  }
0x2c: {  	p0 =	sne.s32 s20, $0x4D8;
	_ =	swait.ge [sflag:s9], $0x50  }
0x2d: {  	[sflag:s9] =	ssyncset.done $0x0  }
0x2e: {  	s20 =	sadd.s32 s19, s7;
	s19 =	smov.u32 s22;
	[sflag:s9] =	ssyncadd.s32 $0xFFFFFFB0  }
0x2f: {  	[tilespmem:s10], [sflag:$0x3] =	stream.linear.gather [hbm4b:s20+s3], $0x50, $0x38;
	[tilespmem:$0x5100] =	vst v63  }
0x30: {  	_ =	swait.ge [sflag:s9], $0x50  }
0x31: {  	[sflag:s9] =	ssyncset.done $0x0  }
0x32: {  	[sflag:s9] =	ssyncadd.s32 $0xFFFFFFB0  }
0x33: {  	[tilespmem:s12], [sflag:$0x1] =	stream.indirect.gather [hbm4b:s1+s11], $0x80, s3, s11, $0xb8;
	[tilespmem:$0x5100] =	vst v63  }
0x34: {  	_ = 	snop  }
0x35: {  	[tilespmem:s13], [sflag:$0x2] =	stream.indirect.gather [hbm4b:s1+s11], $0x80, s10, s11, $0xb8;
	[tilespmem:$0x5100] =	vst v63  }
0x36: {  	_ =	swait.ge [sflag:s14], $0x2800  }
0x37: {  	[sflag:s14] =	ssyncset.done $0x0  }
0x38: {  	[sflag:s14] =	ssyncadd.s32 $0xFFFFD800  }
0x39: {  	_ =	swait.ge [sflag:s15], $0x2800  }
0x3a: {  	[sflag:s15] =	ssyncset.done $0x0  }
0x3b: {  	[sflag:s15] =	ssyncadd.s32 $0xFFFFD800  }
0x3c: {  	[hbm4b:s18+s3] =	stream.linear.scatter [tilespmem:s12], [sflag:$0x3], $0x2800, $0x38;
	[tilespmem:$0x5100] =	vst v63  }
0x3d: {  	_ =	swait.ge [sflag:s9], $0x2800  }
.Ltmp0:
0x3e: {  	[sflag:s9] =	ssyncset.done $0x0;
	(pc) =	sbr.rel @p0 .LBB2_2-.Ltmp0, $4  }
0x3f: {  	[sflag:s9] =	ssyncadd.s32 $0xFFFFD800  }
0x40: {  	[hbm4b:s17+s3] =	stream.linear.scatter [tilespmem:s13], [sflag:$0x3], $0x2800, $0x38;
	[tilespmem:$0x5100] =	vst v63  }
0x41: {  	s20 =	smov.u32 s23;
	_ =	swait.ge [sflag:s9], $0x2800  }
0x42: {  	s18 =	sadd.s32 $0x500, s18;
	s17 =	sadd.s32 $0x500, s17;
	[sflag:s9] =	ssyncset.done $0x0  }
0x43: {  	s20 =	sadd.s32 s19, s8;
	[sflag:s9] =	ssyncadd.s32 $0xFFFFD800  }
0x44: {  	[tilespmem:s3], [sflag:$0x3] =	stream.linear.gather [hbm4b:s20+s3], $0x50, $0x38;
	[tilespmem:$0x5100] =	vst v63  }
0x45: {  	_ =	swait.ge [sflag:s9], $0x50  }
0x46: {  	[sflag:s9] =	ssyncset.done $0x0  }
0x47: {  	s31 =	sadd.s32 s19, s7;
	[sflag:s9] =	ssyncadd.s32 $0xFFFFFFB0  }
0x48: {  	[tilespmem:s10], [sflag:$0x3] =	stream.linear.gather [hbm4b:s31+s3], $0x50, $0x38;
	[tilespmem:$0x5100] =	vst v63  }
0x49: {  	_ =	swait.ge [sflag:s9], $0x50  }
0x4a: {  	[sflag:s9] =	ssyncset.done $0x0  }
0x4b: {  	[sflag:s9] =	ssyncadd.s32 $0xFFFFFFB0  }
0x4c: {  	[tilespmem:s12], [sflag:$0x1] =	stream.indirect.gather [hbm4b:s1+s11], $0x80, s3, s11, $0xb8;
	[tilespmem:$0x5100] =	vst v63  }
0x4d: {  	_ = 	snop  }
0x4e: {  	[tilespmem:s13], [sflag:$0x2] =	stream.indirect.gather [hbm4b:s1+s11], $0x80, s10, s11, $0xb8;
	[tilespmem:$0x5100] =	vst v63  }
0x4f: {  	_ =	swait.ge [sflag:s14], $0x2800  }
0x50: {  	[sflag:s14] =	ssyncset.done $0x0  }
0x51: {  	[sflag:s14] =	ssyncadd.s32 $0xFFFFD800  }
0x52: {  	_ =	swait.ge [sflag:s15], $0x2800  }
0x53: {  	[sflag:s15] =	ssyncset.done $0x0  }
0x54: {  	[sflag:s15] =	ssyncadd.s32 $0xFFFFD800  }
0x55: {  	[hbm4b:s18+s3] =	stream.linear.scatter [tilespmem:s12], [sflag:$0x3], $0x2800, $0x38;
	[tilespmem:$0x5100] =	vst v63  }
0x56: {  	s16 =	sadd.s32 $0x1, s16;
	_ =	swait.ge [sflag:s9], $0x2800  }
0x57: {  	p0 =	sne.s32 s16, s4;
	[sflag:s9] =	ssyncset.done $0x0  }
.Ltmp1:
0x58: {  	[sflag:s9] =	ssyncadd.s32 $0xFFFFD800;
	(pc) =	sbr.rel @p0 .LBB2_1-.Ltmp1, $4  }
0x59: {  	[hbm4b:s17+s3] =	stream.linear.scatter [tilespmem:s13], [sflag:$0x3], $0x2800, $0x38;
	[tilespmem:$0x5100] =	vst v63  }
0x5a: {  	_ =	swait.ge [sflag:s9], $0x2800  }
0x5b: {  	[sflag:s9] =	ssyncset.done $0x0  }
0x5c: {  	[sflag:s9] =	ssyncadd.s32 $0xFFFFD800  }
0x5d: {  	_ =	sfence.sel $0x180000  }
0x5e: {  	[bflag:$0x0] =	sbarrier.arrive $0xFFFF  }
0x5f: {  	p0 =	sne.s32 s2, $0x0;
	_ =	strace $0x90000047  }
0x60: {  	s0 =	sadd.s32 @!p0 $0x100000, s0;
	[bflag:$0x2] =	sbarrier.arrive $0xFFFF  }
0x61: {  	[sflag:s0] =	ssyncadd.tile.s32 @!p0 $0x1;
	_ =	shalt  }
.Lfunc_end2:
_tile_overlayer_lowered:
.L_overlay_start_2:
0x62: {  	(tag) =	ssettag $0x2  }
0x63: {  	s0 =	rddreg [dreg:$0x0];
	s2 =	stileid.u32  }
0x64: {  	s1 =	rddreg [dreg:$0x1];
	p0 =	sne.s32 s2, $0x0  }
0x65: {  	s3 =	rddreg [dreg:$0x2];
	[bflag:$0x3] =	sbarrier.arrive $0xFFFF;
	s2 =	simm.s32 @!p0 $0x1C03  }
0x66: {  	[timem:s3], [sflag:s2] =	dma.local @!p0 [hbm:s0], s1  }
0x67: {  	s0 =	simm.s32 @!p0 $0x3  }
0x68: {  	_ =	swait.ge @!p0 [sflag:s0], s1  }
0x69: {  	s1 =	ssub.s32 @!p0 $0x0, s1;
	[sflag:s0] =	ssyncset.done @!p0 $0x0  }
0x6a: {  	[sflag:s0] =	ssyncadd.s32 @!p0 s1  }
0x6b: {  	[bflag:$0x3] =	sbarrier.arrive $0xFFFF  }
0x6c: {  	_ =	shalt  }

</sc_bundles>
